<compile_context>
chip_gen: v7x
topology: tpu7x:2x2x1
jax: 0.10.2.dev20260603
libtpu: 0.0.44.dev20260713+nightly
codegen_flags: <defaults>
</compile_context>

<pallas_src>
import functools

import jax
import jax.numpy as jnp
from jax import lax
from jax.experimental import pallas as pl
from jax.experimental.pallas import tpu as pltpu
from jax.experimental.pallas import tpu_sc as plsc

B, A, C = 16, 64, 4096
L = 16
NS = 16
PER = A // NS


@functools.partial(
    pl.kernel,
    mesh=plsc.VectorSubcoreMesh(
        core_axis_name="c", subcore_axis_name="s", num_cores=1
    ),
    out_type=(
        jax.ShapeDtypeStruct((B,), jnp.float32),
        jax.ShapeDtypeStruct((NS, L), jnp.float32),
    ),
    scratch_types=[
        pltpu.VMEM((PER, L), jnp.int32),
        pltpu.VMEM((PER * L,), jnp.int32),
        pltpu.VMEM((PER * L,), jnp.float32),
        pltpu.VMEM((L,), jnp.float32),
        pltpu.VMEM((NS, L), jnp.float32),
        pltpu.SemaphoreType.DMA,
    ],
)
def _arg_loss_body(yt_hbm, yp_hbm, out_hbm, stage_hbm, yt_v, idx_v,
                   val_v, part_v, all_v, gsem):
    s = lax.axis_index("s")
    lane = lax.iota(jnp.int32, L)
    pltpu.sync_copy(yt_hbm.at[pl.ds(s * PER, PER)], yt_v)
    lane_base = lane * (A * C)
    for k in range(PER):
        a = s * PER + k
        a_base = (
            lax.shift_left(lax.shift_right_logical(a, 3), 15)
            + lax.shift_left(lax.bitwise_and(a, 7), 7)
        )
        yt16 = yt_v[k, :]
        safe = jnp.maximum(yt16, 0)
        col = lax.shift_left(lax.shift_right_logical(safe, 7), 10) + \
            lax.bitwise_and(safe, 127)
        idx_v[pl.ds(k * L, L)] = lane_base + a_base + col
    pltpu.async_copy(yp_hbm.at[idx_v], val_v, gsem).wait()
    acc = jnp.zeros((L,), jnp.float32)
    for k in range(PER):
        g = val_v[pl.ds(k * L, L)]
        m = yt_v[k, :] >= 0
        acc = acc + jnp.where(m, g, jnp.zeros((L,), jnp.float32))
    part_v[...] = acc
    pltpu.sync_copy(part_v, stage_hbm.at[s])
    plsc.subcore_barrier()

    @pl.when(s == 0)
    def _():
        pltpu.sync_copy(stage_hbm, all_v)
        out = jnp.zeros((L,), jnp.float32)
        for j in range(NS):
            out = out + all_v[j, :]
        part_v[...] = -out
        pltpu.sync_copy(part_v, out_hbm)


def kernel(y_pred, y_true):
    yt = jnp.squeeze(y_true, axis=1).astype(jnp.int32).T
    yp = y_pred.reshape(B * A // 8, 8, C // 128, 128).transpose(0, 2, 1, 3).reshape(-1)
    loss, _ = _arg_loss_body(yt, yp)
    return loss

# --- scband reference (transcript-rebuilt; emitter-appended) ---
"""Pipeline reference for scband-local-argument-model-27152783245416 (READ-ONLY COPY).

The authoritative reference and input builder live on the scoring server;
editing this copy changes nothing except your own understanding.
"""

import jax, jax.numpy as jnp
import numpy as np

B, A, C = 16, 64, 4096

def setup_inputs(seed: int = 0) -> dict:
    key = jax.random.key(seed)
    k1, k2 = jax.random.split(key)
    # Normalized log-probabilities for each argument position over the context
    y_pred = jax.nn.log_softmax(jax.random.normal(k1, (B, A, C), dtype=jnp.float32), axis=-1)
    # Ground-truth argument indices into the context; -1 marks None / other-type arguments
    # (TF code filters these out via arguments_filter). randint lower bound -1 to include sentinel.
    y_true = jax.random.randint(k2, (B, 1, A), -1, C, dtype=jnp.int64)
    return {"y_pred": y_pred, "y_true": y_true}

def reference(y_pred, y_true):
    # ArgumentSparseCategoricalCrossentropy.call with sum_loss_over_tactic=True,
    # dense/padded equivalent of the ragged TF computation.
    # arguments_filter: squeeze the singleton dim and drop -1 (None) arguments.
    yt = jnp.squeeze(y_true, axis=1)                # [B, A]
    mask = yt != -1                                  # valid (non-None) arguments
    safe_idx = jnp.where(mask, yt, 0)                # in-range index for padded slots
    # gather(arguments_pred, arguments_true, batch_dims=2): pick the logit of the true index
    gathered = jnp.take_along_axis(y_pred, safe_idx[..., None], axis=-1)[..., 0]  # [B, A]
    arg_losses = jnp.where(mask, -gathered, 0.0)     # -1 args contribute nothing (filtered in TF)
    # sum_loss_over_tactic=True: sum arg losses within each batch element
    return jnp.sum(arg_losses, axis=-1)              # [B]

if __name__ == "__main__":
    import jax
    _d = setup_inputs()
    print(jax.jit(kernel)(*tuple(_d.values())))

</pallas_src>

<mosaic_0001>
#map = affine_map<(d0, d1) -> (0, 0)>
#map1 = affine_map<(d0, d1) -> (0)>
module attributes {stable_mosaic.version = 14 : i64} {
  func.func @_arg_loss_body(%arg0: i32, %arg1: i32, %arg2: memref<64x16xi32, #tpu.memory_space<hbm>>, %arg3: memref<4194304xf32, #tpu.memory_space<hbm>>, %arg4: memref<16xf32, #tpu.memory_space<hbm>>, %arg5: memref<16x16xf32, #tpu.memory_space<hbm>>, %arg6: memref<4x16xi32, #tpu.memory_space<vmem>>, %arg7: memref<64xi32, #tpu.memory_space<vmem>>, %arg8: memref<64xf32, #tpu.memory_space<vmem>>, %arg9: memref<16xf32, #tpu.memory_space<vmem>>, %arg10: memref<16x16xf32, #tpu.memory_space<vmem>>, %arg11: memref<!tpu.dma_semaphore, #tpu.memory_space<semaphore_mem>>) attributes {dimension_semantics = [#tpu.dimension_semantics<core_parallel>, #tpu.dimension_semantics<subcore_parallel>], iteration_bounds = array<i64: 1, 16>, scalar_prefetch = 0 : i64, scratch_operands = 6 : i64, tpu.core_type = #tpu.core_type<sc_vector_subcore>, window_params = [{transform_indices = #map}, {transform_indices = #map1}, {transform_indices = #map1}, {transform_indices = #map}]} {
    %iota3A = tpu.iota {dimensions = array<i32: 0>} : vector<16xi32>
    %mul3A = arith.constant 4 : i32
    %mul3A_0 = arith.muli %arg1, %mul3A : i32
    "tpu.region"() ({
      %run_scoped3A = tpu.sem_alloc : memref<!tpu.dma_semaphore, #tpu.memory_space<semaphore_mem>>
      %dma_start3A_216 = arith.constant 0 : i32
      %dma_start3A_217 = tpu.memref_slice %arg2[%mul3A_0, %dma_start3A_216] : memref<64x16xi32, #tpu.memory_space<hbm>> -> memref<4x16xi32, #tpu.memory_space<hbm>>
      %dma_start3A_218 = arith.constant 0 : i32
      %dma_start3A_219 = tpu.memref_slice %arg2[%mul3A_0, %dma_start3A_218] : memref<64x16xi32, #tpu.memory_space<hbm>> -> memref<4x16xi32, #tpu.memory_space<hbm>>
      tpu.enqueue_dma source(%dma_start3A_219 : memref<4x16xi32, #tpu.memory_space<hbm>>) target(%arg6 : memref<4x16xi32, #tpu.memory_space<vmem>>) target_semaphore(%run_scoped3A : memref<!tpu.dma_semaphore, #tpu.memory_space<semaphore_mem>>)
      %dma_wait3A_220 = arith.constant 0 : i32
      %dma_wait3A_221 = tpu.memref_slice %arg2[%mul3A_0, %dma_wait3A_220] : memref<64x16xi32, #tpu.memory_space<hbm>> -> memref<4x16xi32, #tpu.memory_space<hbm>>
      %dma_wait3A_222 = arith.constant 0 : i32
      %dma_wait3A_223 = tpu.memref_slice %arg2[%mul3A_0, %dma_wait3A_222] : memref<64x16xi32, #tpu.memory_space<hbm>> -> memref<4x16xi32, #tpu.memory_space<hbm>>
      tpu.wait_dma2 semaphore(%run_scoped3A : memref<!tpu.dma_semaphore, #tpu.memory_space<semaphore_mem>>) src(%dma_wait3A_223 : memref<4x16xi32, #tpu.memory_space<hbm>>) dst(%arg6 : memref<4x16xi32, #tpu.memory_space<vmem>>)
      tpu.yield
    }) : () -> ()
    %mul3A_1 = arith.constant 262144 : i32
    %mul3A_2 = vector.broadcast %mul3A_1 : i32 to vector<16xi32>
    %mul3A_3 = arith.muli %iota3A, %mul3A_2 : vector<16xi32>
    %mul3A_4 = arith.constant 4 : i32
    %mul3A_5 = arith.muli %arg1, %mul3A_4 : i32
    %add3A = arith.constant 0 : i32
    %add3A_6 = arith.addi %mul3A_5, %add3A : i32
    %shift_right_logical3A = arith.constant 3 : i32
    %shift_right_logical3A_7 = arith.shrui %add3A_6, %shift_right_logical3A : i32
    %shift_left3A = arith.constant 15 : i32
    %shift_left3A_8 = arith.shli %shift_right_logical3A_7, %shift_left3A : i32
    %and3A = arith.constant 7 : i32
    %and3A_9 = arith.andi %add3A_6, %and3A : i32
    %shift_left3A_10 = arith.constant 7 : i32
    %shift_left3A_11 = arith.shli %and3A_9, %shift_left3A_10 : i32
    %add3A_12 = arith.addi %shift_left3A_8, %shift_left3A_11 : i32
    %get3A = arith.constant 0 : i32
    %get3A_13 = arith.index_cast %get3A : i32 to index
    %get3A_14 = arith.constant 0 : index
    %get3A_15 = tpu.vector_load %arg6[%get3A_13, %get3A_14] {strides = array<i32>} : memref<4x16xi32, #tpu.memory_space<vmem>>, vector<1x16xi32>,
    %get3A_16 = vector.shape_cast %get3A_15 : vector<1x16xi32> to vector<16xi32>
    %max3A = arith.constant 0 : i32
    %max3A_17 = vector.broadcast %max3A : i32 to vector<16xi32>
    %max3A_18 = arith.maxsi %get3A_16, %max3A_17 : vector<16xi32>
    %shift_right_logical3A_19 = arith.constant 7 : i32
    %shift_right_logical3A_20 = vector.broadcast %shift_right_logical3A_19 : i32 to vector<16xi32>
    %shift_right_logical3A_21 = arith.shrui %max3A_18, %shift_right_logical3A_20 : vector<16xi32>
    %shift_left3A_22 = arith.constant 10 : i32
    %shift_left3A_23 = vector.broadcast %shift_left3A_22 : i32 to vector<16xi32>
    %shift_left3A_24 = arith.shli %shift_right_logical3A_21, %shift_left3A_23 : vector<16xi32>
    %and3A_25 = arith.constant 127 : i32
    %and3A_26 = vector.broadcast %and3A_25 : i32 to vector<16xi32>
    %and3A_27 = arith.andi %max3A_18, %and3A_26 : vector<16xi32>
    %add3A_28 = arith.addi %shift_left3A_24, %and3A_27 : vector<16xi32>
    %add3A_29 = vector.broadcast %add3A_12 : i32 to vector<16xi32>
    %add3A_30 = arith.addi %mul3A_3, %add3A_29 : vector<16xi32>
    %add3A_31 = arith.addi %add3A_30, %add3A_28 : vector<16xi32>
    %swap3A = arith.constant 0 : index
    %swap3A_32 = tpu.vector_load %arg7[%swap3A] {strides = array<i32>} : memref<64xi32, #tpu.memory_space<vmem>>, vector<16xi32>,
    %swap3A_33 = vector.shape_cast %swap3A_32 : vector<16xi32> to vector<16xi32>
    %swap3A_34 = vector.shape_cast %add3A_31 : vector<16xi32> to vector<16xi32>
    tpu.vector_store %arg7[%swap3A], %swap3A_34 {strides = array<i32>} : memref<64xi32, #tpu.memory_space<vmem>>, vector<16xi32>,
    %mul3A_35 = arith.constant 4 : i32
    %mul3A_36 = arith.muli %arg1, %mul3A_35 : i32
    %add3A_37 = arith.constant 1 : i32
    %add3A_38 = arith.addi %mul3A_36, %add3A_37 : i32
    %shift_right_logical3A_39 = arith.constant 3 : i32
    %shift_right_logical3A_40 = arith.shrui %add3A_38, %shift_right_logical3A_39 : i32
    %shift_left3A_41 = arith.constant 15 : i32
    %shift_left3A_42 = arith.shli %shift_right_logical3A_40, %shift_left3A_41 : i32
    %and3A_43 = arith.constant 7 : i32
    %and3A_44 = arith.andi %add3A_38, %and3A_43 : i32
    %shift_left3A_45 = arith.constant 7 : i32
    %shift_left3A_46 = arith.shli %and3A_44, %shift_left3A_45 : i32
    %add3A_47 = arith.addi %shift_left3A_42, %shift_left3A_46 : i32
    %get3A_48 = arith.constant 1 : i32
    %get3A_49 = arith.index_cast %get3A_48 : i32 to index
    %get3A_50 = arith.constant 0 : index
    %get3A_51 = tpu.vector_load %arg6[%get3A_49, %get3A_50] {strides = array<i32>} : memref<4x16xi32, #tpu.memory_space<vmem>>, vector<1x16xi32>,
    %get3A_52 = vector.shape_cast %get3A_51 : vector<1x16xi32> to vector<16xi32>
    %max3A_53 = arith.constant 0 : i32
    %max3A_54 = vector.broadcast %max3A_53 : i32 to vector<16xi32>
    %max3A_55 = arith.maxsi %get3A_52, %max3A_54 : vector<16xi32>
    %shift_right_logical3A_56 = arith.constant 7 : i32
    %shift_right_logical3A_57 = vector.broadcast %shift_right_logical3A_56 : i32 to vector<16xi32>
    %shift_right_logical3A_58 = arith.shrui %max3A_55, %shift_right_logical3A_57 : vector<16xi32>
    %shift_left3A_59 = arith.constant 10 : i32
    %shift_left3A_60 = vector.broadcast %shift_left3A_59 : i32 to vector<16xi32>
    %shift_left3A_61 = arith.shli %shift_right_logical3A_58, %shift_left3A_60 : vector<16xi32>
    %and3A_62 = arith.constant 127 : i32
    %and3A_63 = vector.broadcast %and3A_62 : i32 to vector<16xi32>
    %and3A_64 = arith.andi %max3A_55, %and3A_63 : vector<16xi32>
    %add3A_65 = arith.addi %shift_left3A_61, %and3A_64 : vector<16xi32>
    %add3A_66 = vector.broadcast %add3A_47 : i32 to vector<16xi32>
    %add3A_67 = arith.addi %mul3A_3, %add3A_66 : vector<16xi32>
    %add3A_68 = arith.addi %add3A_67, %add3A_65 : vector<16xi32>
    %swap3A_69 = arith.constant 16 : index
    %swap3A_70 = tpu.vector_load %arg7[%swap3A_69] {strides = array<i32>} : memref<64xi32, #tpu.memory_space<vmem>>, vector<16xi32>,
    %swap3A_71 = vector.shape_cast %swap3A_70 : vector<16xi32> to vector<16xi32>
    %swap3A_72 = vector.shape_cast %add3A_68 : vector<16xi32> to vector<16xi32>
    tpu.vector_store %arg7[%swap3A_69], %swap3A_72 {strides = array<i32>} : memref<64xi32, #tpu.memory_space<vmem>>, vector<16xi32>,
    %mul3A_73 = arith.constant 4 : i32
    %mul3A_74 = arith.muli %arg1, %mul3A_73 : i32
    %add3A_75 = arith.constant 2 : i32
    %add3A_76 = arith.addi %mul3A_74, %add3A_75 : i32
    %shift_right_logical3A_77 = arith.constant 3 : i32
    %shift_right_logical3A_78 = arith.shrui %add3A_76, %shift_right_logical3A_77 : i32
    %shift_left3A_79 = arith.constant 15 : i32
    %shift_left3A_80 = arith.shli %shift_right_logical3A_78, %shift_left3A_79 : i32
    %and3A_81 = arith.constant 7 : i32
    %and3A_82 = arith.andi %add3A_76, %and3A_81 : i32
    %shift_left3A_83 = arith.constant 7 : i32
    %shift_left3A_84 = arith.shli %and3A_82, %shift_left3A_83 : i32
    %add3A_85 = arith.addi %shift_left3A_80, %shift_left3A_84 : i32
    %get3A_86 = arith.constant 2 : i32
    %get3A_87 = arith.index_cast %get3A_86 : i32 to index
    %get3A_88 = arith.constant 0 : index
    %get3A_89 = tpu.vector_load %arg6[%get3A_87, %get3A_88] {strides = array<i32>} : memref<4x16xi32, #tpu.memory_space<vmem>>, vector<1x16xi32>,
    %get3A_90 = vector.shape_cast %get3A_89 : vector<1x16xi32> to vector<16xi32>
    %max3A_91 = arith.constant 0 : i32
    %max3A_92 = vector.broadcast %max3A_91 : i32 to vector<16xi32>
    %max3A_93 = arith.maxsi %get3A_90, %max3A_92 : vector<16xi32>
    %shift_right_logical3A_94 = arith.constant 7 : i32
    %shift_right_logical3A_95 = vector.broadcast %shift_right_logical3A_94 : i32 to vector<16xi32>
    %shift_right_logical3A_96 = arith.shrui %max3A_93, %shift_right_logical3A_95 : vector<16xi32>
    %shift_left3A_97 = arith.constant 10 : i32
    %shift_left3A_98 = vector.broadcast %shift_left3A_97 : i32 to vector<16xi32>
    %shift_left3A_99 = arith.shli %shift_right_logical3A_96, %shift_left3A_98 : vector<16xi32>
    %and3A_100 = arith.constant 127 : i32
    %and3A_101 = vector.broadcast %and3A_100 : i32 to vector<16xi32>
    %and3A_102 = arith.andi %max3A_93, %and3A_101 : vector<16xi32>
    %add3A_103 = arith.addi %shift_left3A_99, %and3A_102 : vector<16xi32>
    %add3A_104 = vector.broadcast %add3A_85 : i32 to vector<16xi32>
    %add3A_105 = arith.addi %mul3A_3, %add3A_104 : vector<16xi32>
    %add3A_106 = arith.addi %add3A_105, %add3A_103 : vector<16xi32>
    %swap3A_107 = arith.constant 32 : index
    %swap3A_108 = tpu.vector_load %arg7[%swap3A_107] {strides = array<i32>} : memref<64xi32, #tpu.memory_space<vmem>>, vector<16xi32>,
    %swap3A_109 = vector.shape_cast %swap3A_108 : vector<16xi32> to vector<16xi32>
    %swap3A_110 = vector.shape_cast %add3A_106 : vector<16xi32> to vector<16xi32>
    tpu.vector_store %arg7[%swap3A_107], %swap3A_110 {strides = array<i32>} : memref<64xi32, #tpu.memory_space<vmem>>, vector<16xi32>,
    %mul3A_111 = arith.constant 4 : i32
    %mul3A_112 = arith.muli %arg1, %mul3A_111 : i32
    %add3A_113 = arith.constant 3 : i32
    %add3A_114 = arith.addi %mul3A_112, %add3A_113 : i32
    %shift_right_logical3A_115 = arith.constant 3 : i32
    %shift_right_logical3A_116 = arith.shrui %add3A_114, %shift_right_logical3A_115 : i32
    %shift_left3A_117 = arith.constant 15 : i32
    %shift_left3A_118 = arith.shli %shift_right_logical3A_116, %shift_left3A_117 : i32
    %and3A_119 = arith.constant 7 : i32
    %and3A_120 = arith.andi %add3A_114, %and3A_119 : i32
    %shift_left3A_121 = arith.constant 7 : i32
    %shift_left3A_122 = arith.shli %and3A_120, %shift_left3A_121 : i32
    %add3A_123 = arith.addi %shift_left3A_118, %shift_left3A_122 : i32
    %get3A_124 = arith.constant 3 : i32
    %get3A_125 = arith.index_cast %get3A_124 : i32 to index
    %get3A_126 = arith.constant 0 : index
    %get3A_127 = tpu.vector_load %arg6[%get3A_125, %get3A_126] {strides = array<i32>} : memref<4x16xi32, #tpu.memory_space<vmem>>, vector<1x16xi32>,
    %get3A_128 = vector.shape_cast %get3A_127 : vector<1x16xi32> to vector<16xi32>
    %max3A_129 = arith.constant 0 : i32
    %max3A_130 = vector.broadcast %max3A_129 : i32 to vector<16xi32>
    %max3A_131 = arith.maxsi %get3A_128, %max3A_130 : vector<16xi32>
    %shift_right_logical3A_132 = arith.constant 7 : i32
    %shift_right_logical3A_133 = vector.broadcast %shift_right_logical3A_132 : i32 to vector<16xi32>
    %shift_right_logical3A_134 = arith.shrui %max3A_131, %shift_right_logical3A_133 : vector<16xi32>
    %shift_left3A_135 = arith.constant 10 : i32
    %shift_left3A_136 = vector.broadcast %shift_left3A_135 : i32 to vector<16xi32>
    %shift_left3A_137 = arith.shli %shift_right_logical3A_134, %shift_left3A_136 : vector<16xi32>
    %and3A_138 = arith.constant 127 : i32
    %and3A_139 = vector.broadcast %and3A_138 : i32 to vector<16xi32>
    %and3A_140 = arith.andi %max3A_131, %and3A_139 : vector<16xi32>
    %add3A_141 = arith.addi %shift_left3A_137, %and3A_140 : vector<16xi32>
    %add3A_142 = vector.broadcast %add3A_123 : i32 to vector<16xi32>
    %add3A_143 = arith.addi %mul3A_3, %add3A_142 : vector<16xi32>
    %add3A_144 = arith.addi %add3A_143, %add3A_141 : vector<16xi32>
    %swap3A_145 = arith.constant 48 : index
    %swap3A_146 = tpu.vector_load %arg7[%swap3A_145] {strides = array<i32>} : memref<64xi32, #tpu.memory_space<vmem>>, vector<16xi32>,
    %swap3A_147 = vector.shape_cast %swap3A_146 : vector<16xi32> to vector<16xi32>
    %swap3A_148 = vector.shape_cast %add3A_144 : vector<16xi32> to vector<16xi32>
    tpu.vector_store %arg7[%swap3A_145], %swap3A_148 {strides = array<i32>} : memref<64xi32, #tpu.memory_space<vmem>>, vector<16xi32>,
    %dma_start3A = arith.constant 0 : i32
    %dma_start3A_149 = tpu.memref_slice %arg3[%dma_start3A] : memref<4194304xf32, #tpu.memory_space<hbm>> -> memref<4194304xf32, #tpu.memory_space<hbm>>
    tpu.enqueue_indirect_dma source(%dma_start3A_149 : memref<4194304xf32, #tpu.memory_space<hbm>>) target(%arg8 : memref<64xf32, #tpu.memory_space<vmem>>) offsets(%arg7 : memref<64xi32, #tpu.memory_space<vmem>>) semaphore(%arg11 : memref<!tpu.dma_semaphore, #tpu.memory_space<semaphore_mem>>)
    %dma_wait3A = arith.constant 0 : i32
    %dma_wait3A_150 = tpu.memref_slice %arg3[%dma_wait3A] : memref<4194304xf32, #tpu.memory_space<hbm>> -> memref<4194304xf32, #tpu.memory_space<hbm>>
    tpu.wait_indirect_dma semaphore(%arg11 : memref<!tpu.dma_semaphore, #tpu.memory_space<semaphore_mem>>) src(%dma_wait3A_150 : memref<4194304xf32, #tpu.memory_space<hbm>>) dst(%arg8 : memref<64xf32, #tpu.memory_space<vmem>>)
    %broadcast_in_dim3A = arith.constant 0.000000e+00 : f32
    %broadcast_in_dim3A_151 = vector.broadcast %broadcast_in_dim3A : f32 to vector<16xf32>
    %get3A_152 = arith.constant 0 : index
    %get3A_153 = tpu.vector_load %arg8[%get3A_152] {strides = array<i32>} : memref<64xf32, #tpu.memory_space<vmem>>, vector<16xf32>,
    %get3A_154 = vector.shape_cast %get3A_153 : vector<16xf32> to vector<16xf32>
    %get3A_155 = arith.constant 0 : i32
    %get3A_156 = arith.index_cast %get3A_155 : i32 to index
    %get3A_157 = arith.constant 0 : index
    %get3A_158 = tpu.vector_load %arg6[%get3A_156, %get3A_157] {strides = array<i32>} : memref<4x16xi32, #tpu.memory_space<vmem>>, vector<1x16xi32>,
    %get3A_159 = vector.shape_cast %get3A_158 : vector<1x16xi32> to vector<16xi32>
    %ge3A = arith.constant 0 : i32
    %ge3A_160 = vector.broadcast %ge3A : i32 to vector<16xi32>
    %ge3A_161 = arith.cmpi sge, %get3A_159, %ge3A_160 : vector<16xi32>
    %broadcast_in_dim3A_162 = arith.constant 0.000000e+00 : f32
    %broadcast_in_dim3A_163 = vector.broadcast %broadcast_in_dim3A_162 : f32 to vector<16xf32>
    %select_n3A = arith.select %ge3A_161, %get3A_154, %broadcast_in_dim3A_163 : vector<16xi1>, vector<16xf32>
    %add3A_164 = arith.addf %broadcast_in_dim3A_151, %select_n3A : vector<16xf32>
    %get3A_165 = arith.constant 16 : index
    %get3A_166 = tpu.vector_load %arg8[%get3A_165] {strides = array<i32>} : memref<64xf32, #tpu.memory_space<vmem>>, vector<16xf32>,
    %get3A_167 = vector.shape_cast %get3A_166 : vector<16xf32> to vector<16xf32>
    %get3A_168 = arith.constant 1 : i32
    %get3A_169 = arith.index_cast %get3A_168 : i32 to index
    %get3A_170 = arith.constant 0 : index
    %get3A_171 = tpu.vector_load %arg6[%get3A_169, %get3A_170] {strides = array<i32>} : memref<4x16xi32, #tpu.memory_space<vmem>>, vector<1x16xi32>,
    %get3A_172 = vector.shape_cast %get3A_171 : vector<1x16xi32> to vector<16xi32>
    %ge3A_173 = arith.constant 0 : i32
    %ge3A_174 = vector.broadcast %ge3A_173 : i32 to vector<16xi32>
    %ge3A_175 = arith.cmpi sge, %get3A_172, %ge3A_174 : vector<16xi32>
    %broadcast_in_dim3A_176 = arith.constant 0.000000e+00 : f32
    %broadcast_in_dim3A_177 = vector.broadcast %broadcast_in_dim3A_176 : f32 to vector<16xf32>
    %select_n3A_178 = arith.select %ge3A_175, %get3A_167, %broadcast_in_dim3A_177 : vector<16xi1>, vector<16xf32>
    %add3A_179 = arith.addf %add3A_164, %select_n3A_178 : vector<16xf32>
    %get3A_180 = arith.constant 32 : index
    %get3A_181 = tpu.vector_load %arg8[%get3A_180] {strides = array<i32>} : memref<64xf32, #tpu.memory_space<vmem>>, vector<16xf32>,
    %get3A_182 = vector.shape_cast %get3A_181 : vector<16xf32> to vector<16xf32>
    %get3A_183 = arith.constant 2 : i32
    %get3A_184 = arith.index_cast %get3A_183 : i32 to index
    %get3A_185 = arith.constant 0 : index
    %get3A_186 = tpu.vector_load %arg6[%get3A_184, %get3A_185] {strides = array<i32>} : memref<4x16xi32, #tpu.memory_space<vmem>>, vector<1x16xi32>,
    %get3A_187 = vector.shape_cast %get3A_186 : vector<1x16xi32> to vector<16xi32>
    %ge3A_188 = arith.constant 0 : i32
    %ge3A_189 = vector.broadcast %ge3A_188 : i32 to vector<16xi32>
    %ge3A_190 = arith.cmpi sge, %get3A_187, %ge3A_189 : vector<16xi32>
    %broadcast_in_dim3A_191 = arith.constant 0.000000e+00 : f32
    %broadcast_in_dim3A_192 = vector.broadcast %broadcast_in_dim3A_191 : f32 to vector<16xf32>
    %select_n3A_193 = arith.select %ge3A_190, %get3A_182, %broadcast_in_dim3A_192 : vector<16xi1>, vector<16xf32>
    %add3A_194 = arith.addf %add3A_179, %select_n3A_193 : vector<16xf32>
    %get3A_195 = arith.constant 48 : index
    %get3A_196 = tpu.vector_load %arg8[%get3A_195] {strides = array<i32>} : memref<64xf32, #tpu.memory_space<vmem>>, vector<16xf32>,
    %get3A_197 = vector.shape_cast %get3A_196 : vector<16xf32> to vector<16xf32>
    %get3A_198 = arith.constant 3 : i32
    %get3A_199 = arith.index_cast %get3A_198 : i32 to index
    %get3A_200 = arith.constant 0 : index
    %get3A_201 = tpu.vector_load %arg6[%get3A_199, %get3A_200] {strides = array<i32>} : memref<4x16xi32, #tpu.memory_space<vmem>>, vector<1x16xi32>,
    %get3A_202 = vector.shape_cast %get3A_201 : vector<1x16xi32> to vector<16xi32>
    %ge3A_203 = arith.constant 0 : i32
    %ge3A_204 = vector.broadcast %ge3A_203 : i32 to vector<16xi32>
    %ge3A_205 = arith.cmpi sge, %get3A_202, %ge3A_204 : vector<16xi32>
    %broadcast_in_dim3A_206 = arith.constant 0.000000e+00 : f32
    %broadcast_in_dim3A_207 = vector.broadcast %broadcast_in_dim3A_206 : f32 to vector<16xf32>
    %select_n3A_208 = arith.select %ge3A_205, %get3A_197, %broadcast_in_dim3A_207 : vector<16xi1>, vector<16xf32>
    %add3A_209 = arith.addf %add3A_194, %select_n3A_208 : vector<16xf32>
    %swap3A_210 = arith.constant 0 : index
    %swap3A_211 = tpu.vector_load %arg9[%swap3A_210] {strides = array<i32>} : memref<16xf32, #tpu.memory_space<vmem>>, vector<16xf32>,
    %swap3A_212 = vector.shape_cast %swap3A_211 : vector<16xf32> to vector<16xf32>
    %swap3A_213 = vector.shape_cast %add3A_209 : vector<16xf32> to vector<16xf32>
    tpu.vector_store %arg9[%swap3A_210], %swap3A_213 {strides = array<i32>} : memref<16xf32, #tpu.memory_space<vmem>>, vector<16xf32>,
    "tpu.region"() ({
      %run_scoped3A = tpu.sem_alloc : memref<!tpu.dma_semaphore, #tpu.memory_space<semaphore_mem>>
      %dma_start3A_216 = arith.constant 0 : i32
      %dma_start3A_217 = tpu.memref_slice %arg5[%arg1, %dma_start3A_216] : memref<16x16xf32, #tpu.memory_space<hbm>> -> memref<1x16xf32, #tpu.memory_space<hbm>>
      %dma_start3A_218 = tpu.memref_squeeze %dma_start3A_217 : memref<1x16xf32, #tpu.memory_space<hbm>> -> memref<16xf32, #tpu.memory_space<hbm>>
      %dma_start3A_219 = arith.constant 0 : i32
      %dma_start3A_220 = tpu.memref_slice %arg5[%arg1, %dma_start3A_219] : memref<16x16xf32, #tpu.memory_space<hbm>> -> memref<1x16xf32, #tpu.memory_space<hbm>>
      %dma_start3A_221 = tpu.memref_squeeze %dma_start3A_220 : memref<1x16xf32, #tpu.memory_space<hbm>> -> memref<16xf32, #tpu.memory_space<hbm>>
      tpu.enqueue_dma source(%arg9 : memref<16xf32, #tpu.memory_space<vmem>>) target(%dma_start3A_221 : memref<16xf32, #tpu.memory_space<hbm>>) target_semaphore(%run_scoped3A : memref<!tpu.dma_semaphore, #tpu.memory_space<semaphore_mem>>)
      %dma_wait3A_222 = arith.constant 0 : i32
      %dma_wait3A_223 = tpu.memref_slice %arg5[%arg1, %dma_wait3A_222] : memref<16x16xf32, #tpu.memory_space<hbm>> -> memref<1x16xf32, #tpu.memory_space<hbm>>
      %dma_wait3A_224 = tpu.memref_squeeze %dma_wait3A_223 : memref<1x16xf32, #tpu.memory_space<hbm>> -> memref<16xf32, #tpu.memory_space<hbm>>
      %dma_wait3A_225 = arith.constant 0 : i32
      %dma_wait3A_226 = tpu.memref_slice %arg5[%arg1, %dma_wait3A_225] : memref<16x16xf32, #tpu.memory_space<hbm>> -> memref<1x16xf32, #tpu.memory_space<hbm>>
      %dma_wait3A_227 = tpu.memref_squeeze %dma_wait3A_226 : memref<1x16xf32, #tpu.memory_space<hbm>> -> memref<16xf32, #tpu.memory_space<hbm>>
      tpu.wait_dma2 semaphore(%run_scoped3A : memref<!tpu.dma_semaphore, #tpu.memory_space<semaphore_mem>>) src(%arg9 : memref<16xf32, #tpu.memory_space<vmem>>) dst(%dma_wait3A_227 : memref<16xf32, #tpu.memory_space<hbm>>)
      tpu.yield
    }) : () -> ()
    %barrier3A = arith.constant 0 : index
    tpu.barrier barrier_id(%barrier3A)
    %eq3A = arith.constant 0 : i32
    %eq3A_214 = arith.cmpi eq, %arg1, %eq3A : i32
    %convert_element_type3A = arith.extui %eq3A_214 : i1 to i32
    %cond3A = arith.constant 0 : i32
    %cond3A_215 = arith.cmpi ne, %convert_element_type3A, %cond3A : i32
    scf.if %cond3A_215 {
      "tpu.region"() ({
        %run_scoped3A = tpu.sem_alloc : memref<!tpu.dma_semaphore, #tpu.memory_space<semaphore_mem>>
        tpu.enqueue_dma source(%arg5 : memref<16x16xf32, #tpu.memory_space<hbm>>) target(%arg10 : memref<16x16xf32, #tpu.memory_space<vmem>>) target_semaphore(%run_scoped3A : memref<!tpu.dma_semaphore, #tpu.memory_space<semaphore_mem>>)
        tpu.wait_dma2 semaphore(%run_scoped3A : memref<!tpu.dma_semaphore, #tpu.memory_space<semaphore_mem>>) src(%arg5 : memref<16x16xf32, #tpu.memory_space<hbm>>) dst(%arg10 : memref<16x16xf32, #tpu.memory_space<vmem>>)
        tpu.yield
      }) : () -> ()
      %broadcast_in_dim3A_216 = arith.constant 0.000000e+00 : f32
      %broadcast_in_dim3A_217 = vector.broadcast %broadcast_in_dim3A_216 : f32 to vector<16xf32>
      %get3A_218 = arith.constant 0 : i32
      %get3A_219 = arith.index_cast %get3A_218 : i32 to index
      %get3A_220 = arith.constant 0 : index
      %get3A_221 = tpu.vector_load %arg10[%get3A_219, %get3A_220] {strides = array<i32>} : memref<16x16xf32, #tpu.memory_space<vmem>>, vector<1x16xf32>,
      %get3A_222 = vector.shape_cast %get3A_221 : vector<1x16xf32> to vector<16xf32>
      %add3A_223 = arith.addf %broadcast_in_dim3A_217, %get3A_222 : vector<16xf32>
      %get3A_224 = arith.constant 1 : i32
      %get3A_225 = arith.index_cast %get3A_224 : i32 to index
      %get3A_226 = arith.constant 0 : index
      %get3A_227 = tpu.vector_load %arg10[%get3A_225, %get3A_226] {strides = array<i32>} : memref<16x16xf32, #tpu.memory_space<vmem>>, vector<1x16xf32>,
      %get3A_228 = vector.shape_cast %get3A_227 : vector<1x16xf32> to vector<16xf32>
      %add3A_229 = arith.addf %add3A_223, %get3A_228 : vector<16xf32>
      %get3A_230 = arith.constant 2 : i32
      %get3A_231 = arith.index_cast %get3A_230 : i32 to index
      %get3A_232 = arith.constant 0 : index
      %get3A_233 = tpu.vector_load %arg10[%get3A_231, %get3A_232] {strides = array<i32>} : memref<16x16xf32, #tpu.memory_space<vmem>>, vector<1x16xf32>,
      %get3A_234 = vector.shape_cast %get3A_233 : vector<1x16xf32> to vector<16xf32>
      %add3A_235 = arith.addf %add3A_229, %get3A_234 : vector<16xf32>
      %get3A_236 = arith.constant 3 : i32
      %get3A_237 = arith.index_cast %get3A_236 : i32 to index
      %get3A_238 = arith.constant 0 : index
      %get3A_239 = tpu.vector_load %arg10[%get3A_237, %get3A_238] {strides = array<i32>} : memref<16x16xf32, #tpu.memory_space<vmem>>, vector<1x16xf32>,
      %get3A_240 = vector.shape_cast %get3A_239 : vector<1x16xf32> to vector<16xf32>
      %add3A_241 = arith.addf %add3A_235, %get3A_240 : vector<16xf32>
      %get3A_242 = arith.constant 4 : i32
      %get3A_243 = arith.index_cast %get3A_242 : i32 to index
      %get3A_244 = arith.constant 0 : index
      %get3A_245 = tpu.vector_load %arg10[%get3A_243, %get3A_244] {strides = array<i32>} : memref<16x16xf32, #tpu.memory_space<vmem>>, vector<1x16xf32>,
      %get3A_246 = vector.shape_cast %get3A_245 : vector<1x16xf32> to vector<16xf32>
      %add3A_247 = arith.addf %add3A_241, %get3A_246 : vector<16xf32>
      %get3A_248 = arith.constant 5 : i32
      %get3A_249 = arith.index_cast %get3A_248 : i32 to index
      %get3A_250 = arith.constant 0 : index
      %get3A_251 = tpu.vector_load %arg10[%get3A_249, %get3A_250] {strides = array<i32>} : memref<16x16xf32, #tpu.memory_space<vmem>>, vector<1x16xf32>,
      %get3A_252 = vector.shape_cast %get3A_251 : vector<1x16xf32> to vector<16xf32>
      %add3A_253 = arith.addf %add3A_247, %get3A_252 : vector<16xf32>
      %get3A_254 = arith.constant 6 : i32
      %get3A_255 = arith.index_cast %get3A_254 : i32 to index
      %get3A_256 = arith.constant 0 : index
      %get3A_257 = tpu.vector_load %arg10[%get3A_255, %get3A_256] {strides = array<i32>} : memref<16x16xf32, #tpu.memory_space<vmem>>, vector<1x16xf32>,
      %get3A_258 = vector.shape_cast %get3A_257 : vector<1x16xf32> to vector<16xf32>
      %add3A_259 = arith.addf %add3A_253, %get3A_258 : vector<16xf32>
      %get3A_260 = arith.constant 7 : i32
      %get3A_261 = arith.index_cast %get3A_260 : i32 to index
      %get3A_262 = arith.constant 0 : index
      %get3A_263 = tpu.vector_load %arg10[%get3A_261, %get3A_262] {strides = array<i32>} : memref<16x16xf32, #tpu.memory_space<vmem>>, vector<1x16xf32>,
      %get3A_264 = vector.shape_cast %get3A_263 : vector<1x16xf32> to vector<16xf32>
      %add3A_265 = arith.addf %add3A_259, %get3A_264 : vector<16xf32>
      %get3A_266 = arith.constant 8 : i32
      %get3A_267 = arith.index_cast %get3A_266 : i32 to index
      %get3A_268 = arith.constant 0 : index
      %get3A_269 = tpu.vector_load %arg10[%get3A_267, %get3A_268] {strides = array<i32>} : memref<16x16xf32, #tpu.memory_space<vmem>>, vector<1x16xf32>,
      %get3A_270 = vector.shape_cast %get3A_269 : vector<1x16xf32> to vector<16xf32>
      %add3A_271 = arith.addf %add3A_265, %get3A_270 : vector<16xf32>
      %get3A_272 = arith.constant 9 : i32
      %get3A_273 = arith.index_cast %get3A_272 : i32 to index
      %get3A_274 = arith.constant 0 : index
      %get3A_275 = tpu.vector_load %arg10[%get3A_273, %get3A_274] {strides = array<i32>} : memref<16x16xf32, #tpu.memory_space<vmem>>, vector<1x16xf32>,
      %get3A_276 = vector.shape_cast %get3A_275 : vector<1x16xf32> to vector<16xf32>
      %add3A_277 = arith.addf %add3A_271, %get3A_276 : vector<16xf32>
      %get3A_278 = arith.constant 10 : i32
      %get3A_279 = arith.index_cast %get3A_278 : i32 to index
      %get3A_280 = arith.constant 0 : index
      %get3A_281 = tpu.vector_load %arg10[%get3A_279, %get3A_280] {strides = array<i32>} : memref<16x16xf32, #tpu.memory_space<vmem>>, vector<1x16xf32>,
      %get3A_282 = vector.shape_cast %get3A_281 : vector<1x16xf32> to vector<16xf32>
      %add3A_283 = arith.addf %add3A_277, %get3A_282 : vector<16xf32>
      %get3A_284 = arith.constant 11 : i32
      %get3A_285 = arith.index_cast %get3A_284 : i32 to index
      %get3A_286 = arith.constant 0 : index
      %get3A_287 = tpu.vector_load %arg10[%get3A_285, %get3A_286] {strides = array<i32>} : memref<16x16xf32, #tpu.memory_space<vmem>>, vector<1x16xf32>,
      %get3A_288 = vector.shape_cast %get3A_287 : vector<1x16xf32> to vector<16xf32>
      %add3A_289 = arith.addf %add3A_283, %get3A_288 : vector<16xf32>
      %get3A_290 = arith.constant 12 : i32
      %get3A_291 = arith.index_cast %get3A_290 : i32 to index
      %get3A_292 = arith.constant 0 : index
      %get3A_293 = tpu.vector_load %arg10[%get3A_291, %get3A_292] {strides = array<i32>} : memref<16x16xf32, #tpu.memory_space<vmem>>, vector<1x16xf32>,
      %get3A_294 = vector.shape_cast %get3A_293 : vector<1x16xf32> to vector<16xf32>
      %add3A_295 = arith.addf %add3A_289, %get3A_294 : vector<16xf32>
      %get3A_296 = arith.constant 13 : i32
      %get3A_297 = arith.index_cast %get3A_296 : i32 to index
      %get3A_298 = arith.constant 0 : index
      %get3A_299 = tpu.vector_load %arg10[%get3A_297, %get3A_298] {strides = array<i32>} : memref<16x16xf32, #tpu.memory_space<vmem>>, vector<1x16xf32>,
      %get3A_300 = vector.shape_cast %get3A_299 : vector<1x16xf32> to vector<16xf32>
      %add3A_301 = arith.addf %add3A_295, %get3A_300 : vector<16xf32>
      %get3A_302 = arith.constant 14 : i32
      %get3A_303 = arith.index_cast %get3A_302 : i32 to index
      %get3A_304 = arith.constant 0 : index
      %get3A_305 = tpu.vector_load %arg10[%get3A_303, %get3A_304] {strides = array<i32>} : memref<16x16xf32, #tpu.memory_space<vmem>>, vector<1x16xf32>,
      %get3A_306 = vector.shape_cast %get3A_305 : vector<1x16xf32> to vector<16xf32>
      %add3A_307 = arith.addf %add3A_301, %get3A_306 : vector<16xf32>
      %get3A_308 = arith.constant 15 : i32
      %get3A_309 = arith.index_cast %get3A_308 : i32 to index
      %get3A_310 = arith.constant 0 : index
      %get3A_311 = tpu.vector_load %arg10[%get3A_309, %get3A_310] {strides = array<i32>} : memref<16x16xf32, #tpu.memory_space<vmem>>, vector<1x16xf32>,
      %get3A_312 = vector.shape_cast %get3A_311 : vector<1x16xf32> to vector<16xf32>
      %add3A_313 = arith.addf %add3A_307, %get3A_312 : vector<16xf32>
      %neg3A = arith.constant 0.000000e+00 : f32
      %neg3A_314 = vector.broadcast %neg3A : f32 to vector<16xf32>
      %neg3A_315 = arith.subf %neg3A_314, %add3A_313 : vector<16xf32>
      %swap3A_316 = arith.constant 0 : index
      %swap3A_317 = tpu.vector_load %arg9[%swap3A_316] {strides = array<i32>} : memref<16xf32, #tpu.memory_space<vmem>>, vector<16xf32>,
      %swap3A_318 = vector.shape_cast %swap3A_317 : vector<16xf32> to vector<16xf32>
      %swap3A_319 = vector.shape_cast %neg3A_315 : vector<16xf32> to vector<16xf32>
      tpu.vector_store %arg9[%swap3A_316], %swap3A_319 {strides = array<i32>} : memref<16xf32, #tpu.memory_space<vmem>>, vector<16xf32>,
      "tpu.region"() ({
        %run_scoped3A = tpu.sem_alloc : memref<!tpu.dma_semaphore, #tpu.memory_space<semaphore_mem>>
        tpu.enqueue_dma source(%arg9 : memref<16xf32, #tpu.memory_space<vmem>>) target(%arg4 : memref<16xf32, #tpu.memory_space<hbm>>) target_semaphore(%run_scoped3A : memref<!tpu.dma_semaphore, #tpu.memory_space<semaphore_mem>>)
        tpu.wait_dma2 semaphore(%run_scoped3A : memref<!tpu.dma_semaphore, #tpu.memory_space<semaphore_mem>>) src(%arg9 : memref<16xf32, #tpu.memory_space<vmem>>) dst(%arg4 : memref<16xf32, #tpu.memory_space<hbm>>)
        tpu.yield
      }) : () -> ()
    } else {
    }
    return
  }
}

</mosaic_0001>

<sc_bundles>
// kernel: kernel.3.cloned.1.call-start
scs
__scs_entry_jumppad:
0x0: {  	(pc) =	sbr.rel $0x88, $3  }
0x1: {  	(tag) =	ssettag $0x0;
	lr =	simm.s32 $0x1  }
0x2: {  	[smem:$0x3F9F] =	sst lr;
	_ =	strace $0xD0000000  }
0x3: {  	_ = 	snop  }
0x4: {  	_ = 	snop  }
0x5: {  	_ = 	snop  }
0x6: {  	_ = 	snop  }
0x7: {  	_ = 	snop  }
__scs_overlays_trampoline_lowered:
0x8: {  	[smem:$0x3FAE] =	sst s0  }
0x9: {  	[smem:$0x3FAF] =	sst s1  }
0xa: {  	[smem:$0x3FB0] =	sst s2  }
0xb: {  	[smem:$0x3FB1] =	sst s3  }
0xc: {  	[smem:$0x3FB2] =	sst s4  }
0xd: {  	[smem:$0x3FB3] =	sst s5  }
0xe: {  	[smem:$0x3FB4] =	sst s6  }
0xf: {  	[smem:$0x3FB5] =	sst s7  }
0x10: {  	[smem:$0x3FB6] =	sst s8  }
0x11: {  	[smem:$0x3FB7] =	sst s9;
	s0 =	simm.s32 @!p0 $0x0  }
0x12: {  	s1 =	sld [smem:$0x3F9D];
	s0 =	simm.s32 @p0 $0x1  }
0x13: {  	[smem:$0x3FB8] =	sst s0;
	s0 =	simm.s32 @!p1 $0x0  }
0x14: {  	s2 =	sld [smem:$0x3F9C];
	s0 =	simm.s32 @p1 $0x1  }
0x15: {  	[smem:$0x3FB9] =	sst s0;
	s0 =	simm.s32 @!p2 $0x0  }
0x16: {  	s3 =	sld [smem:$0x3FDB];
	s0 =	simm.s32 @p2 $0x1  }
0x17: {  	s4 =	simm.s32 $0x1BF5;
	[smem:$0x3FBB] =	sst s0  }
0x18: {  	s0 =	sld [smem:$0x3F9E];
	_ =	swait.ge [sflag:s4], $0x0  }
0x19: {  	s7 =	sld [smem:$0x3F9F]  }
0x1a: {  	s8 =	sadd.s32 $0xFFFFE003, lr  }
0x1b: {  	s9 =	sadd.s32 $0xFFFFFEF7, lr;
	s5 =	simm.s32 $0xFFFFFFFF;
	p2 =	slt.u32 s8, $0xFFFFF086  }
0x1c: {  	p1 =	slt.u32 s9, $0xF7A;
	s5 =	simm.s32 @!p2 $0x0  }
0x1d: {  	s5 =	simm.s32 @p1 $0x1;
	p0 =	seq.s32 s7, s2  }
0x1e: {  	s7 =	smul.u32 @!p0 $0xF7A, s2;
	p2 =	seq.s32 @!p0 s5, $0x0  }
0x1f: {  	s9 =	smul.u32 $0xF7A, s1;
	s8 =	simm.s32 @!p0 $0x1BF5;
	p2 =	por !p2, p0  }
0x20: {  	[sflag:s8] =	ssyncset.s32 @!p0 $0xFFFFF086;
	s6 =	sadd.s32 @!p0 s3, s7;
	s7 =	simm.s32 @!p0 $0x108  }
0x21: {  	s3 =	sadd.s32 s3, s9;
	s6 =	sadd.s32 @!p0 $0x88, s6;
	s7 =	simm.s32 @p2 $0x1082  }
0x22: {  	[simem:s7], [sflag:s8] =	dma.local @!p0 [hbm:s6], $0xF7A  }
0x23: {  	s9 =	sor.u32 $0xD0000000, s2;
	s6 =	simm.s32 $0x108;
	_ =	swait.ge @!p0 [sflag:s8], $0x0  }
0x24: {  	s3 =	sadd.s32 $0x88, s3;
	s6 =	simm.s32 @!p1 $0x1082;
	[sflag:s4] =	ssyncset.s32 $0xFFFFF086  }
0x25: {  	[simem:s6], [sflag:s4] =	dma.local [hbm:s3], $0xF7A  }
0x26: {  	[smem:$0x3F9F] =	sst s1;
	(tag) =	ssettag s2;
	_ =	strace s9  }
0x27: {  	s1 =	sld [smem:$0x3FAF]  }
0x28: {  	s2 =	sld [smem:$0x3FB0]  }
0x29: {  	s4 =	sld [smem:$0x3FB2]  }
0x2a: {  	p0 =	seq.s32 s5, $0x0;
	s5 =	sld [smem:$0x3FB3]  }
0x2b: {  	s6 =	sld [smem:$0x3FB4]  }
0x2c: {  	s7 =	sld [smem:$0x3FB5]  }
0x2d: {  	s3 =	simm.s32 $0x108;
	s8 =	sld [smem:$0x3FB6]  }
0x2e: {  	s3 =	simm.s32 @!p0 $0x1082;
	s9 =	sld [smem:$0x3FB7]  }
0x2f: {  	lr =	sadd.s32 s0, s3;
	s0 =	sld [smem:$0x3FAE]  }
0x30: {  	s3 =	sld [smem:$0x3FB1]  }
0x31: {  	[smem:$0x3FBA] =	sst s10  }
0x32: {  	s10 =	sld [smem:$0x3FB8];
	_ =	sdelay $0x3  }
0x33: {  	p0 =	seq.s32 s10, $0x1;
	s10 =	sld [smem:$0x3FBA];
	_ =	sdelay $0x3  }
0x34: {  	[smem:$0x3FBA] =	sst s10  }
0x35: {  	s10 =	sld [smem:$0x3FB9];
	_ =	sdelay $0x3  }
0x36: {  	p1 =	seq.s32 s10, $0x1;
	s10 =	sld [smem:$0x3FBA];
	_ =	sdelay $0x3  }
0x37: {  	[smem:$0x3FBA] =	sst s10  }
0x38: {  	s10 =	sld [smem:$0x3FBB]  }
0x39: {  	_ = 	snop;
	(pc) =	sbr.ind lr, $3  }
0x3a: {  	_ = 	snop  }
0x3b: {  	_ = 	snop  }
0x3c: {  	p2 =	seq.s32 s10, $0x1;
	s10 =	sld [smem:$0x3FBA]  }
0x3d: {  	_ =	shalt  }
0x3e: {  	_ =	shalt  }
0x3f: {  	_ =	shalt  }
0x40: {  	_ =	shalt  }
0x41: {  	_ =	shalt  }
0x42: {  	_ =	shalt  }
0x43: {  	_ =	shalt  }
0x44: {  	_ =	shalt  }
0x45: {  	_ =	shalt  }
0x46: {  	_ =	shalt  }
0x47: {  	_ =	shalt  }
0x48: {  	_ =	shalt  }
0x49: {  	_ =	shalt  }
0x4a: {  	_ =	shalt  }
0x4b: {  	_ =	shalt  }
0x4c: {  	_ =	shalt  }
0x4d: {  	_ =	shalt  }
0x4e: {  	_ =	shalt  }
0x4f: {  	_ =	shalt  }
0x50: {  	_ =	shalt  }
0x51: {  	_ =	shalt  }
0x52: {  	_ =	shalt  }
0x53: {  	_ =	shalt  }
0x54: {  	_ =	shalt  }
0x55: {  	_ =	shalt  }
0x56: {  	_ =	shalt  }
0x57: {  	_ =	shalt  }
0x58: {  	_ =	shalt  }
0x59: {  	_ =	shalt  }
0x5a: {  	_ =	shalt  }
0x5b: {  	_ =	shalt  }
0x5c: {  	_ =	shalt  }
0x5d: {  	_ =	shalt  }
0x5e: {  	_ =	shalt  }
0x5f: {  	_ =	shalt  }
0x60: {  	_ =	shalt  }
0x61: {  	_ =	shalt  }
0x62: {  	_ =	shalt  }
0x63: {  	_ =	shalt  }
0x64: {  	_ =	shalt  }
0x65: {  	_ =	shalt  }
0x66: {  	_ =	shalt  }
0x67: {  	_ =	shalt  }
0x68: {  	_ =	shalt  }
0x69: {  	_ =	shalt  }
0x6a: {  	_ =	shalt  }
0x6b: {  	_ =	shalt  }
0x6c: {  	_ =	shalt  }
0x6d: {  	_ =	shalt  }
0x6e: {  	_ =	shalt  }
0x6f: {  	_ =	shalt  }
0x70: {  	_ =	shalt  }
0x71: {  	_ =	shalt  }
0x72: {  	_ =	shalt  }
0x73: {  	_ =	shalt  }
0x74: {  	_ =	shalt  }
0x75: {  	_ =	shalt  }
0x76: {  	_ =	shalt  }
0x77: {  	_ =	shalt  }
0x78: {  	_ =	shalt  }
0x79: {  	_ =	shalt  }
0x7a: {  	_ =	shalt  }
0x7b: {  	_ =	shalt  }
0x7c: {  	_ =	shalt  }
0x7d: {  	_ =	shalt  }
0x7e: {  	_ =	shalt  }
0x7f: {  	_ =	shalt  }
0x80: {  	_ =	shalt  }
0x81: {  	_ =	shalt  }
0x82: {  	_ =	shalt  }
0x83: {  	_ =	shalt  }
0x84: {  	_ =	shalt  }
0x85: {  	_ =	shalt  }
0x86: {  	_ =	shalt  }
0x87: {  	_ =	shalt  }
.Lfunc_end0:
.L_simem_size_0:
called_computation_lowered:
.L_overlay_start_0:
0x88: {  	s0 =	sld [smem:$0x3FD9]  }
0x89: {  	s1 =	sld [smem:$0x3FFE];
	_ =	sdelay $0x3  }
0x8a: {  	s0 =	sadd.s32 s1, s0  }
0x8b: {  	[smem:$0x3FC6] =	sst s0  }
0x8c: {  	_ = 	snop  }
0x8d: {  	s0 =	sld [smem:$0x3FC9]  }
0x8e: {  	s16 =	sld [smem:$0x3FD0];
	(tm) =	ssettm $0x1  }
0x8f: {  	s2 =	sld [smem:$0x3FFB];
	_ =	sdelay $0x3  }
0x90: {  	_ =	strace s2  }
0x91: {  	s2 =	sld [smem:$0x3FFC];
	_ =	sdelay $0x3  }
0x92: {  	_ =	strace s2  }
0x93: {  	s2 =	sld [smem:$0x3FFD];
	_ =	sdelay $0x3  }
0x94: {  	_ =	strace s2  }
0x95: {  	_ =	strace $0x8FFFFFFF  }
0x96: {  	s17 =	sld [smem:$0x3FDB];
	_ =	sdelay $0x1  }
0x97: {  	s3 =	simm.s32 $_scs_section_size  }
0x98: {  	s4 =	simm.s32 $_size__tile_overlayer_lowered;
	s5 =	simm.s32 $_tile_overlayer_lowered  }
0x99: {  	s20 =	simm.s32 $0x1BFF;
	s19 =	sshll.u32 s5, $0x1;
	s2 =	sadd.s32 s3, s17  }
0x9a: {  	s6 =	simm.s32 $0x0;
	s18 =	sshll.u32 s4, $0x1;
	s4 =	sadd.s32 s19, s2  }
0x9b: {  	[timem:s6], [sflag:s20] =	dma.local [hbm:s4], s18  }
0x9c: {  	_ =	swait.ge [sflag:s20], s18  }
0x9d: {  	s3 =	ssub.s32 $0x0, s18;
	[sflag:s20] =	ssyncset.done $0x0  }
0x9e: {  	[sflag:s20] =	ssyncadd.s32 s3;
	_ =	sdelay $0x1  }
0x9f: {  	s21 =	simm.s32 $0x1B8B  }
0xa0: {  	_ =	swait.ge [sflag:s21], $0x1  }
0xa1: {  	[sflag:s21] =	ssyncset.done $0x0  }
0xa2: {  	s23 =	simm.s32 $0x1B8E;
	s22 =	sld [smem:$0x3FFE];
	[sflag:s21] =	ssyncadd.s32 $0xFFFFFFFF  }
0xa3: {  	s24 =	simm.s32 $execute0_lowered;
	[smem:$0x3FD2] =	sst s23  }
0xa4: {  	s4 =	sshll.u32 s24, $0x1;
	_ =	strace $0x80000046;
	[dreg:$0x1] =	wrdreg $0xFFFFFFFF  }
0xa5: {  	s25 =	simm.s32 $_size_execute0_lowered;
	s2 =	sadd.s32 s2, s4;
	[dreg:$0x0] =	wrdreg $0x0  }
0xa6: {  	s4 =	sshll.u32 s25, $0x1;
	[dreg:$0x2] =	wrdreg s2  }
0xa7: {  	[dreg:$0x3] =	wrdreg s4  }
0xa8: {  	[dreg:$0x4] =	wrdreg $0xC0  }
0xa9: {  	_ =	task [dreg:s6], $0x5FFFF  }
0xaa: {  	[dreg:$0x1] =	wrdreg $0xFFFFFFFF  }
0xab: {  	[dreg:$0x0] =	wrdreg $0x60  }
0xac: {  	[dreg:$0x2] =	wrdreg s22  }
0xad: {  	[dreg:$0x3] =	wrdreg s0  }
0xae: {  	[dreg:$0x4] =	wrdreg s16  }
0xaf: {  	[dreg:$0x5] =	wrdreg $0x9  }
0xb0: {  	_ =	task.clear_ibuf [dreg:s6], $0x6FFFF;
	_ =	strace $0x90000046  }
0xb1: {  	s26 =	simm.s32 $0x9;
	_ =	strace $0x80000048  }
0xb2: {  	_ =	swait.ge [sflag:s26], $0x1  }
0xb3: {  	[sflag:s26] =	ssyncadd.s32 $0xFFFFFFFF  }
0xb4: {  	_ =	strace $0x90000048  }
0xb5: {  	_ =	sfence  }
0xb6: {  	s28 =	sld [smem:$0x0];
	_ =	sdelay $0x1  }
0xb7: {  	s29 =	srdreg.scid  }
0xb8: {  	s30 =	sshll.u32 s29, $0xD;
	s31 =	sshrl.u32 s29, $0x2  }
0xb9: {  	s1 =	sand.u32 $0x1, s29;
	s2 =	sand.u32 $0x4000, s30;
	s0 =	sadd.s32 s31, s28  }
0xba: {  	s1 =	sor.u32 s2, s1;
	s0 =	sshll.u32 s0, $0x11  }
0xbb: {  	s0 =	sor.u32 s0, s1  }
0xbc: {  	s0 =	sadd.s32 $0x8F2B, s0  }
0xbd: {  	[sflag:s0] =	ssyncadd.remote.s32 $0x1  }
0xbe: {  	_ =	sfence.sel $0xFFFF  }
0xbf: {  	[dreg:$0x0] =	wrdreg $0xFFFFFFFF;
	(pc) =	sbr.abs _section_cstart, $3  }
0xc0: {  	[dreg:$0x1] =	wrdreg $0xFFFFFFFF  }
0xc1: {  	_ =	task.clear_ibuf [dreg:s6], $0x2FFFF;
	_ =	strace $0x9FFFFFFF  }
0xc2: {  	(tm) =	ssettm $0x7FFFFFFF  }
0xc3: {  	_ =	shalt  }
tec
execute0_lowered:
.L_overlay_start_1:
0x0: {  	(tag) =	ssettag $0x1  }
0x1: {  	s3 =	rddreg [dreg:$0x0]  }
0x2: {  	s6 =	rddreg [dreg:$0x1]  }
0x3: {  	s1 =	rddreg [dreg:$0x2];
	s2 =	stileid.u32  }
0x4: {  	s0 =	rddreg [dreg:$0x3];
	s4 =	simm.s32 $0x0;
	s5 =	sshll.u32 s2, $0x6  }
0x5: {  	[smem:$0x7FF] =	sst s4;
	s5 =	sadd.s32 s5, s3  }
0x6: {  	s23 =	simm.s32 $0x2;
	_ =	strace $0x80000047;
	s5 =	sadd.s32 $0x800, s5  }
0x7: {  	[tilespmem:s4], [sflag:$0x2] =	stream.linear.gather [hbm4b:s5+s4], $0x200, $0x38;
	[tilespmem:$0xB80] =	vst v63  }
0x8: {  	_ =	swait.ge [sflag:s23], $0x200  }
0x9: {  	[sflag:s23] =	ssyncset.done $0x0  }
0xa: {  	[sflag:s23] =	ssyncadd.s32 $0xFFFFFE00  }
0xb: {  	v0 =	vld [tilespmem:$0x0]  }
0xc: {  	v1 =	vld [tilespmem:$0x80]  }
0xd: {  	v3 =	vld [tilespmem:$0x100]  }
0xe: {  	v5 =	vld [tilespmem:$0x180];
	_ =	sdelay $0x2  }
0xf: {  	v4 =	vlaneseq.u32  }
0x10: {  	v4 =	vmul.u32 $0x40000, v4;
	vm0 =	vgt.s32 v0, $0x0;
	vm10 =	vgt.s32 v1, $0x0  }
0x11: {  	vm11 =	vgt.s32 v3, $0x0;
	vm12 =	vgt.s32 v5, $0x0;
	v0 =	vnsel vm0, $0x0, v0  }
0x12: {  	s7 =	sshll.u32 s2, $0x9;
	s8 =	sshll.u32 s2, $0xE;
	v1 =	vnsel vm10, $0x0, v1;
	v49 =	vnsel vm11, $0x0, v3;
	v5 =	vnsel vm12, $0x0, v5  }
0x13: {  	s7 =	sor.u32 s7, s8;
	v2 =	vand.u32 $0x7F, v0;
	v0 =	vshll.u32 v0, $0x3;
	v48 =	vand.u32 $0x7F, v1  }
0x14: {  	s7 =	sand.u32 $0x38200, s7;
	v1 =	vshll.u32 v1, $0x3;
	v3 =	vand.u32 $0x7F, v49;
	v6 =	vand.u32 $0x7F, v5  }
0x15: {  	s25 =	sor.u32 $0x100, s7;
	v5 =	vshll.u32 v5, $0x3;
	v2 =	vor.u32 s7, v2;
	v0 =	vand.u32 $0xFFFFFC00, v0  }
0x16: {  	s24 =	sor.u32 $0x80, s7;
	v1 =	vand.u32 $0xFFFFFC00, v1;
	v3 =	vor.u32 s25, v3;
	s7 =	sor.u32 $0x180, s7;
	v52 =	vand.u32 $0xFFFFFC00, v5  }
0x17: {  	v0 =	vadd.s32 v2, v0;
	v2 =	vor.u32 s24, v48;
	v51 =	vor.u32 s7, v6  }
0x18: {  	v0 =	vadd.s32 v4, v0;
	v1 =	vadd.s32 v2, v1;
	v2 =	vshll.u32 v49, $0x3  }
0x19: {  	v53 =	vadd.s32 v51, v52;
	v1 =	vadd.s32 v4, v1;
	v2 =	vand.u32 $0xFFFFFC00, v2;
	[tilespmem:$0x200] =	vst v0  }
0x1a: {  	v54 =	vadd.s32 v4, v53;
	v50 =	vadd.s32 v3, v2;
	[tilespmem:$0x210] =	vst v1  }
0x1b: {  	s26 =	simm.s32 $0x40;
	[tilespmem:$0x230] =	vst v54;
	v0 =	vadd.s32 v4, v50  }
0x1c: {  	s28 =	simm.s32 $0x200;
	s9 =	simm.s32 $0x280;
	s29 =	simm.s32 $0x1;
	[tilespmem:$0x220] =	vst v0  }
0x1d: {  	[tilespmem:s9], [sflag:$0x1] =	stream.indirect.gather [hbm4b:s6+s26], $0x1, s28, s26, $0xb8;
	[tilespmem:$0xB80] =	vst v63  }
0x1e: {  	_ =	swait.ge [sflag:s29], $0x40  }
0x1f: {  	[sflag:s29] =	ssyncset.done $0x0  }
0x20: {  	[sflag:s29] =	ssyncadd.s32 $0xFFFFFFC0  }
0x21: {  	v55 =	vld [tilespmem:$0x280]  }
0x22: {  	v56 =	vld [tilespmem:$0x0]  }
0x23: {  	v57 =	vld [tilespmem:$0x80]  }
0x24: {  	v58 =	vld [tilespmem:$0x290]  }
0x25: {  	v59 =	vld [tilespmem:$0x100]  }
0x26: {  	v60 =	vld [tilespmem:$0x2A0]  }
0x27: {  	v61 =	vld [tilespmem:$0x180];
	v0 =	vadd.f32 $0.0e+00, v55  }
0x28: {  	v62 =	vld [tilespmem:$0x2B0];
	vm13 =	vgt.s32 v56, $0xFFFFFFFF;
	vm1 =	vgt.s32 v57, $0xFFFFFFFF  }
0x29: {  	v2 =	vnsel vm1, $0x0, v58;
	v0 =	vnsel vm13, $0x0, v0  }
0x2a: {  	vm14 =	vgt.s32 v59, $0xFFFFFFFF;
	v0 =	vadd.f32 v2, v0  }
0x2b: {  	v63 =	vnsel vm14, $0x0, v60  }
0x2c: {  	vm15 =	vgt.s32 v61, $0xFFFFFFFF;
	v0 =	vadd.f32 v63, v0  }
0x2d: {  	v1 =	vnsel vm15, $0x0, v62  }
0x2e: {  	v0 =	vadd.f32 v1, v0  }
0x2f: {  	s30 =	sshll.u32 s2, $0x4;
	s3 =	sadd.s32 $0xC00, s3  }
0x30: {  	s31 =	simm.s32 $0x300;
	s6 =	sadd.s32 s3, s30;
	[tilespmem:$0x300] =	vst v0  }
0x31: {  	[hbm4b:s6+s4] =	stream.linear.scatter [tilespmem:s31], [sflag:$0x2], $0x80, $0x38;
	[tilespmem:$0xB80] =	vst v63  }
0x32: {  	_ =	swait.ge [sflag:s23], $0x80  }
0x33: {  	[sflag:s23] =	ssyncset.done $0x0  }
0x34: {  	[sflag:s23] =	ssyncadd.s32 $0xFFFFFF80  }
0x35: {  	p0 =	sne.s32 s2, $0x0;
	[bflag:$0x0] =	sbarrier.arrive $0xFFFF  }
0x36: {  	_ =	sfence.sel @p0 $0x180000  }
0x37: {  	[bflag:$0x0] =	sbarrier.arrive @p0 $0xFFFF  }
0x38: {  	_ =	strace @p0 $0x90000047  }
0x39: {  	s2 =	simm.s32 @!p0 $0x0;
	s4 =	simm.s32 @!p0 $0x380;
	[bflag:$0x2] =	sbarrier.arrive @p0 $0xFFFF  }
0x3a: {  	[tilespmem:s4], [sflag:$0x2] =	stream.linear.gather @!p0 [hbm4b:s3+s2], $0x800, $0x38;
	[tilespmem:$0xB80] =	vst v63  }
0x3b: {  	s3 =	simm.s32 @!p0 $0x2  }
0x3c: {  	_ =	swait.ge @!p0 [sflag:s3], $0x800  }
0x3d: {  	[sflag:s3] =	ssyncset.done @!p0 $0x0  }
0x3e: {  	[sflag:s3] =	ssyncadd.s32 @!p0 $0xFFFFF800  }
0x3f: {  	v0 =	vld @!p0 [tilespmem:$0x380];
	_ =	sdelay $0x1  }
0x40: {  	v1 =	vld @!p0 [tilespmem:$0x400];
	_ =	sdelay $0x1  }
0x41: {  	v2 =	vld @!p0 [tilespmem:$0x480]  }
0x42: {  	v0 =	vadd.f32 @!p0 $0.0e+00, v0  }
0x43: {  	v3 =	vld @!p0 [tilespmem:$0x500]  }
0x44: {  	v0 =	vadd.f32 @!p0 v1, v0  }
0x45: {  	v1 =	vld @!p0 [tilespmem:$0x580]  }
0x46: {  	v0 =	vadd.f32 @!p0 v2, v0  }
0x47: {  	v2 =	vld @!p0 [tilespmem:$0x600]  }
0x48: {  	v0 =	vadd.f32 @!p0 v3, v0  }
0x49: {  	v3 =	vld @!p0 [tilespmem:$0x680]  }
0x4a: {  	v0 =	vadd.f32 @!p0 v1, v0  }
0x4b: {  	v1 =	vld @!p0 [tilespmem:$0x700]  }
0x4c: {  	v0 =	vadd.f32 @!p0 v2, v0  }
0x4d: {  	v2 =	vld @!p0 [tilespmem:$0x780]  }
0x4e: {  	v0 =	vadd.f32 @!p0 v3, v0  }
0x4f: {  	v3 =	vld @!p0 [tilespmem:$0x800]  }
0x50: {  	v0 =	vadd.f32 @!p0 v1, v0  }
0x51: {  	v1 =	vld @!p0 [tilespmem:$0x880]  }
0x52: {  	v0 =	vadd.f32 @!p0 v2, v0  }
0x53: {  	v2 =	vld @!p0 [tilespmem:$0x900]  }
0x54: {  	v0 =	vadd.f32 @!p0 v3, v0  }
0x55: {  	v3 =	vld @!p0 [tilespmem:$0x980]  }
0x56: {  	v0 =	vadd.f32 @!p0 v1, v0  }
0x57: {  	v1 =	vld @!p0 [tilespmem:$0xA00]  }
0x58: {  	v0 =	vadd.f32 @!p0 v2, v0  }
0x59: {  	v2 =	vld @!p0 [tilespmem:$0xA80]  }
0x5a: {  	v0 =	vadd.f32 @!p0 v3, v0  }
0x5b: {  	v3 =	vld @!p0 [tilespmem:$0xB00]  }
0x5c: {  	v0 =	vadd.f32 @!p0 v1, v0;
	_ =	sdelay $0x1  }
0x5d: {  	v0 =	vadd.f32 @!p0 v2, v0;
	_ =	sdelay $0x1  }
0x5e: {  	v0 =	vadd.f32 @!p0 v3, v0;
	_ =	sdelay $0x1  }
0x5f: {  	v0 =	vsub.f32 @!p0 $0.0e+00, v0;
	_ =	sdelay $0x1  }
0x60: {  	s4 =	simm.s32 @!p0 $0x300;
	[tilespmem:$0x300] =	vst @!p0 v0  }
0x61: {  	[hbm4b:s1+s2] =	stream.linear.scatter @!p0 [tilespmem:s4], [sflag:$0x2], $0x80, $0x38;
	[tilespmem:$0xB80] =	vst v63  }
0x62: {  	_ =	swait.ge @!p0 [sflag:s3], $0x80  }
0x63: {  	[sflag:s3] =	ssyncset.done @!p0 $0x0  }
0x64: {  	[sflag:s3] =	ssyncadd.s32 @!p0 $0xFFFFFF80  }
0x65: {  	_ =	sfence.sel @!p0 $0x180000  }
0x66: {  	[bflag:$0x0] =	sbarrier.arrive @!p0 $0xFFFF  }
0x67: {  	_ =	strace @!p0 $0x90000047  }
0x68: {  	s0 =	sadd.s32 @!p0 $0x100000, s0;
	[bflag:$0x2] =	sbarrier.arrive @!p0 $0xFFFF  }
0x69: {  	[sflag:s0] =	ssyncadd.tile.s32 @!p0 $0x1;
	_ =	shalt  }
.Lfunc_end2:
_tile_overlayer_lowered:
.L_overlay_start_2:
0x6a: {  	(tag) =	ssettag $0x2  }
0x6b: {  	s0 =	rddreg [dreg:$0x0];
	s2 =	stileid.u32  }
0x6c: {  	s1 =	rddreg [dreg:$0x1];
	p0 =	sne.s32 s2, $0x0  }
0x6d: {  	s3 =	rddreg [dreg:$0x2];
	[bflag:$0x3] =	sbarrier.arrive $0xFFFF;
	s2 =	simm.s32 @!p0 $0x1C02  }
0x6e: {  	[timem:s3], [sflag:s2] =	dma.local @!p0 [hbm:s0], s1  }
0x6f: {  	s0 =	simm.s32 @!p0 $0x2  }
0x70: {  	_ =	swait.ge @!p0 [sflag:s0], s1  }
0x71: {  	s1 =	ssub.s32 @!p0 $0x0, s1;
	[sflag:s0] =	ssyncset.done @!p0 $0x0  }
0x72: {  	[sflag:s0] =	ssyncadd.s32 @!p0 s1  }
0x73: {  	[bflag:$0x3] =	sbarrier.arrive $0xFFFF  }
0x74: {  	_ =	shalt  }

</sc_bundles>
